<compile_context>
chip_gen: v7x
topology: tpu7x:2x2x1
jax: 0.10.2.dev20260603
libtpu: 0.0.44.dev20260713+nightly
codegen_flags: <defaults>
</compile_context>

<pallas_src>
import jax
import jax.numpy as jnp
from jax import lax
from jax.experimental import pallas as pl
from jax.experimental.pallas import tpu as pltpu
from jax.experimental.pallas import tpu_sc as plsc

_BATCH = 4096
_EMB = 64
_WIDE = 2 * _EMB
_DECAY = 1e-4
_NW = 32
_BPW = _BATCH // _NW
_R = 256
_T = _BATCH // _R


def _gather_body(ut, it, users, pos, out_u, out_p,
                 uidx, uhalf, urows, pidx, phalf, prows, sem_u, sem_p):
    wid = lax.axis_index("s") * 2 + lax.axis_index("c")
    base = wid * _BPW
    pltpu.sync_copy(users.at[pl.ds(base, _BPW)], uidx)
    pltpu.sync_copy(pos.at[pl.ds(base, _BPW)], pidx)
    for i in range(_BPW // 16):
        s = pl.ds(i * 16, 16)
        uhalf[s] = lax.shift_right_logical(uidx[s], 1)
        phalf[s] = lax.shift_right_logical(pidx[s], 1)
    cu = pltpu.async_copy(ut.at[uhalf], urows, sem_u)
    cp = pltpu.async_copy(it.at[phalf], prows, sem_p)
    cu.wait()
    cp.wait()
    pltpu.sync_copy(urows, out_u.at[pl.ds(base, _BPW)])
    pltpu.sync_copy(prows, out_p.at[pl.ds(base, _BPW)])


def _loss_body(wu_ref, wp_ref, users_ref, pos_ref, acc_ref, un_ref, pn_ref):
    t = pl.program_id(0)

    @pl.when(t == 0)
    def _init():
        u_odd = lax.rem(users_ref[...], 2) == 1
        p_odd = lax.rem(pos_ref[...], 2) == 1
        ug = jnp.where(u_odd, wu_ref[:, _EMB:], wu_ref[:, :_EMB])
        pg = jnp.where(p_odd, wp_ref[:, _EMB:], wp_ref[:, :_EMB])
        usq = jnp.sum(ug * ug, axis=1, keepdims=True)
        psq = jnp.sum(pg * pg, axis=1, keepdims=True)
        un = ug / jnp.sqrt(usq)
        pn = pg / jnp.sqrt(psq)
        un_ref[...] = un.astype(jnp.bfloat16)
        pn_ref[...] = pn.astype(jnp.bfloat16)
        acc_ref[0] = jnp.sum((un - pn) ** 2)
        acc_ref[1] = jnp.sum(usq) + jnp.sum(psq)
        acc_ref[2] = jnp.float32(-_BATCH)
        acc_ref[3] = jnp.float32(-_BATCH)

    dn = (((1,), (1,)), ((), ()))
    gu = lax.dot_general(un_ref[pl.ds(t * _R, _R), :], un_ref[...], dn,
                         preferred_element_type=jnp.float32)
    gp = lax.dot_general(pn_ref[pl.ds(t * _R, _R), :], pn_ref[...], dn,
                         preferred_element_type=jnp.float32)
    acc_ref[2] += jnp.sum(jnp.exp(jnp.minimum(4.0 * gu - 4.0, 0.0)))
    acc_ref[3] += jnp.sum(jnp.exp(jnp.minimum(4.0 * gp - 4.0, 0.0)))


def kernel(user_embed, item_embed, users, pos_items):
    ut2 = user_embed.reshape(-1, _WIDE)
    it2 = item_embed.reshape(-1, _WIDE)

    gather = pl.kernel(
        _gather_body,
        mesh=plsc.VectorSubcoreMesh(core_axis_name="c", subcore_axis_name="s"),
        out_type=[jax.ShapeDtypeStruct((_BATCH, _WIDE), jnp.float32),
                  jax.ShapeDtypeStruct((_BATCH, _WIDE), jnp.float32)],
        scratch_types=[
            pltpu.VMEM((_BPW,), jnp.int32),
            pltpu.VMEM((_BPW,), jnp.int32),
            pltpu.VMEM((_BPW, _WIDE), jnp.float32),
            pltpu.VMEM((_BPW,), jnp.int32),
            pltpu.VMEM((_BPW,), jnp.int32),
            pltpu.VMEM((_BPW, _WIDE), jnp.float32),
            pltpu.SemaphoreType.DMA,
            pltpu.SemaphoreType.DMA,
        ],
    )
    wu, wp = gather(ut2, it2, users, pos_items)

    acc = pl.pallas_call(
        _loss_body,
        grid=(_T,),
        in_specs=[pl.BlockSpec((_BATCH, _WIDE), lambda t: (0, 0)),
                  pl.BlockSpec((_BATCH, _WIDE), lambda t: (0, 0)),
                  pl.BlockSpec((_BATCH, 1), lambda t: (0, 0)),
                  pl.BlockSpec((_BATCH, 1), lambda t: (0, 0))],
        out_specs=pl.BlockSpec((4,), lambda t: (0,), memory_space=pltpu.SMEM),
        out_shape=jax.ShapeDtypeStruct((4,), jnp.float32),
        scratch_shapes=[
            pltpu.VMEM((_BATCH, _EMB), jnp.bfloat16),
            pltpu.VMEM((_BATCH, _EMB), jnp.bfloat16),
        ],
    )(wu, wp, users.reshape(_BATCH, 1), pos_items.reshape(_BATCH, 1))

    n_pairs = _BATCH * (_BATCH - 1) / 2.0
    align = acc[0] / _BATCH
    uniformity = 0.5 * (jnp.log(acc[2] * (0.5 / n_pairs))
                        + jnp.log(acc[3] * (0.5 / n_pairs)))
    emb_loss = (_DECAY * 0.5 / _BATCH) * acc[1]
    return align + uniformity + emb_loss, emb_loss

# --- scband reference (transcript-rebuilt; emitter-appended) ---
"""Pipeline reference for scband-mf-uniform-84731114816067 (READ-ONLY COPY).

The authoritative reference and input builder live on the scoring server;
editing this copy changes nothing except your own understanding.
"""

import jax, jax.numpy as jnp
import numpy as np

N_USERS = 1000000
N_ITEMS = 1000000
EMB = 64
BATCH = 4096
DECAY = 1e-4
T2 = 1.0
U_NORM = True
I_NORM = True


def setup_inputs(seed: int = 0) -> dict:
    key = jax.random.key(seed)
    k1, k2, k3, k4 = jax.random.split(key, 4)
    # learned parameters (xavier-uniform style init approximated with scaled normal)
    user_embed = jax.random.normal(k1, (N_USERS, EMB), dtype=jnp.float32) * 0.1
    item_embed = jax.random.normal(k2, (N_ITEMS, EMB), dtype=jnp.float32) * 0.1
    users = jax.random.randint(k3, (BATCH,), 0, N_USERS, dtype=jnp.int64) if jax.config.jax_enable_x64 else jax.random.randint(k3, (BATCH,), 0, N_USERS, dtype=jnp.int32)
    pos_items = jax.random.randint(k4, (BATCH,), 0, N_ITEMS, dtype=jnp.int32)
    users = users.astype(jnp.int32)
    return {"user_embed": user_embed, "item_embed": item_embed, "users": users, "pos_items": pos_items}


def _pdist_term(x):
    # log(mean(exp(-2 * pdist(x)^2))) over unique pairs i < j (matches torch.pdist)
    n = x.shape[0]
    sq = jnp.sum(x * x, axis=1)
    d2 = sq[:, None] + sq[None, :] - 2.0 * (x @ x.T)
    d2 = jnp.maximum(d2, 0.0)
    mask = jnp.triu(jnp.ones((n, n), dtype=bool), k=1)
    vals = jnp.exp(-2.0 * d2)
    n_pairs = n * (n - 1) / 2.0
    m = jnp.sum(jnp.where(mask, vals, 0.0)) / n_pairs
    return jnp.log(m)


def reference(user_embed, item_embed, users, pos_items):
    # forward: gather embeddings (SparseCore-friendly), then Uniform_loss
    user_gcn_emb = jnp.take(user_embed, users, axis=0)
    pos_gcn_emb = jnp.take(item_embed, pos_items, axis=0)
    batch_size = user_gcn_emb.shape[0]

    u_e = user_gcn_emb
    pos_e = pos_gcn_emb
    if U_NORM:
        u_e = u_e / jnp.linalg.norm(u_e, axis=-1, keepdims=True)
    if I_NORM:
        pos_e = pos_e / jnp.linalg.norm(pos_e, axis=-1, keepdims=True)

    align = jnp.mean(jnp.sum((u_e - pos_e) ** 2, axis=1))
    uniformity = (_pdist_term(u_e) + _pdist_term(pos_e)) / 2.0
    loss = align + T2 * uniformity

    regularize = (jnp.sum(user_gcn_emb ** 2) + jnp.sum(pos_gcn_emb ** 2)) / 2.0
    emb_loss = DECAY * regularize / batch_size

    return (loss + emb_loss, emb_loss)

if __name__ == "__main__":
    import jax
    _d = setup_inputs()
    print(jax.jit(kernel)(*tuple(_d.values())))

</pallas_src>

<mosaic_0001>
#map = affine_map<(d0, d1) -> (0, 0)>
#map1 = affine_map<(d0, d1) -> (0)>
module attributes {stable_mosaic.version = 14 : i64} {
  func.func @_gather_body(%arg0: i32, %arg1: i32, %arg2: memref<500000x128xf32, #tpu.memory_space<hbm>>, %arg3: memref<500000x128xf32, #tpu.memory_space<hbm>>, %arg4: memref<4096xi32, #tpu.memory_space<hbm>>, %arg5: memref<4096xi32, #tpu.memory_space<hbm>>, %arg6: memref<4096x128xf32, #tpu.memory_space<hbm>>, %arg7: memref<4096x128xf32, #tpu.memory_space<hbm>>, %arg8: memref<128xi32, #tpu.memory_space<vmem>>, %arg9: memref<128xi32, #tpu.memory_space<vmem>>, %arg10: memref<128x128xf32, #tpu.memory_space<vmem>>, %arg11: memref<128xi32, #tpu.memory_space<vmem>>, %arg12: memref<128xi32, #tpu.memory_space<vmem>>, %arg13: memref<128x128xf32, #tpu.memory_space<vmem>>, %arg14: memref<!tpu.dma_semaphore, #tpu.memory_space<semaphore_mem>>, %arg15: memref<!tpu.dma_semaphore, #tpu.memory_space<semaphore_mem>>) attributes {dimension_semantics = [#tpu.dimension_semantics<core_parallel>, #tpu.dimension_semantics<subcore_parallel>], iteration_bounds = array<i64: 2, 16>, scalar_prefetch = 0 : i64, scratch_operands = 8 : i64, tpu.core_type = #tpu.core_type<sc_vector_subcore>, window_params = [{transform_indices = #map}, {transform_indices = #map}, {transform_indices = #map1}, {transform_indices = #map1}, {transform_indices = #map}, {transform_indices = #map}]} {
    %mul3A = arith.constant 2 : i32
    %mul3A_0 = arith.muli %arg1, %mul3A : i32
    %add3A = arith.addi %mul3A_0, %arg0 : i32
    %mul3A_1 = arith.constant 128 : i32
    %mul3A_2 = arith.muli %add3A, %mul3A_1 : i32
    "tpu.region"() ({
      %run_scoped3A = tpu.sem_alloc : memref<!tpu.dma_semaphore, #tpu.memory_space<semaphore_mem>>
      %dma_start3A_170 = tpu.memref_slice %arg4[%mul3A_2] : memref<4096xi32, #tpu.memory_space<hbm>> -> memref<128xi32, #tpu.memory_space<hbm>>
      %dma_start3A_171 = tpu.memref_slice %arg4[%mul3A_2] : memref<4096xi32, #tpu.memory_space<hbm>> -> memref<128xi32, #tpu.memory_space<hbm>>
      tpu.enqueue_dma source(%dma_start3A_171 : memref<128xi32, #tpu.memory_space<hbm>>) target(%arg8 : memref<128xi32, #tpu.memory_space<vmem>>) target_semaphore(%run_scoped3A : memref<!tpu.dma_semaphore, #tpu.memory_space<semaphore_mem>>)
      %dma_wait3A_172 = tpu.memref_slice %arg4[%mul3A_2] : memref<4096xi32, #tpu.memory_space<hbm>> -> memref<128xi32, #tpu.memory_space<hbm>>
      %dma_wait3A_173 = tpu.memref_slice %arg4[%mul3A_2] : memref<4096xi32, #tpu.memory_space<hbm>> -> memref<128xi32, #tpu.memory_space<hbm>>
      tpu.wait_dma2 semaphore(%run_scoped3A : memref<!tpu.dma_semaphore, #tpu.memory_space<semaphore_mem>>) src(%dma_wait3A_173 : memref<128xi32, #tpu.memory_space<hbm>>) dst(%arg8 : memref<128xi32, #tpu.memory_space<vmem>>)
      tpu.yield
    }) : () -> ()
    "tpu.region"() ({
      %run_scoped3A = tpu.sem_alloc : memref<!tpu.dma_semaphore, #tpu.memory_space<semaphore_mem>>
      %dma_start3A_170 = tpu.memref_slice %arg5[%mul3A_2] : memref<4096xi32, #tpu.memory_space<hbm>> -> memref<128xi32, #tpu.memory_space<hbm>>
      %dma_start3A_171 = tpu.memref_slice %arg5[%mul3A_2] : memref<4096xi32, #tpu.memory_space<hbm>> -> memref<128xi32, #tpu.memory_space<hbm>>
      tpu.enqueue_dma source(%dma_start3A_171 : memref<128xi32, #tpu.memory_space<hbm>>) target(%arg11 : memref<128xi32, #tpu.memory_space<vmem>>) target_semaphore(%run_scoped3A : memref<!tpu.dma_semaphore, #tpu.memory_space<semaphore_mem>>)
      %dma_wait3A_172 = tpu.memref_slice %arg5[%mul3A_2] : memref<4096xi32, #tpu.memory_space<hbm>> -> memref<128xi32, #tpu.memory_space<hbm>>
      %dma_wait3A_173 = tpu.memref_slice %arg5[%mul3A_2] : memref<4096xi32, #tpu.memory_space<hbm>> -> memref<128xi32, #tpu.memory_space<hbm>>
      tpu.wait_dma2 semaphore(%run_scoped3A : memref<!tpu.dma_semaphore, #tpu.memory_space<semaphore_mem>>) src(%dma_wait3A_173 : memref<128xi32, #tpu.memory_space<hbm>>) dst(%arg11 : memref<128xi32, #tpu.memory_space<vmem>>)
      tpu.yield
    }) : () -> ()
    %get3A = arith.constant 0 : index
    %get3A_3 = tpu.vector_load %arg8[%get3A] {strides = array<i32>} : memref<128xi32, #tpu.memory_space<vmem>>, vector<16xi32>,
    %get3A_4 = vector.shape_cast %get3A_3 : vector<16xi32> to vector<16xi32>
    %shift_right_logical3A = arith.constant 1 : i32
    %shift_right_logical3A_5 = vector.broadcast %shift_right_logical3A : i32 to vector<16xi32>
    %shift_right_logical3A_6 = arith.shrui %get3A_4, %shift_right_logical3A_5 : vector<16xi32>
    %swap3A = arith.constant 0 : index
    %swap3A_7 = tpu.vector_load %arg9[%swap3A] {strides = array<i32>} : memref<128xi32, #tpu.memory_space<vmem>>, vector<16xi32>,
    %swap3A_8 = vector.shape_cast %swap3A_7 : vector<16xi32> to vector<16xi32>
    %swap3A_9 = vector.shape_cast %shift_right_logical3A_6 : vector<16xi32> to vector<16xi32>
    tpu.vector_store %arg9[%swap3A], %swap3A_9 {strides = array<i32>} : memref<128xi32, #tpu.memory_space<vmem>>, vector<16xi32>,
    %get3A_10 = arith.constant 0 : index
    %get3A_11 = tpu.vector_load %arg11[%get3A_10] {strides = array<i32>} : memref<128xi32, #tpu.memory_space<vmem>>, vector<16xi32>,
    %get3A_12 = vector.shape_cast %get3A_11 : vector<16xi32> to vector<16xi32>
    %shift_right_logical3A_13 = arith.constant 1 : i32
    %shift_right_logical3A_14 = vector.broadcast %shift_right_logical3A_13 : i32 to vector<16xi32>
    %shift_right_logical3A_15 = arith.shrui %get3A_12, %shift_right_logical3A_14 : vector<16xi32>
    %swap3A_16 = arith.constant 0 : index
    %swap3A_17 = tpu.vector_load %arg12[%swap3A_16] {strides = array<i32>} : memref<128xi32, #tpu.memory_space<vmem>>, vector<16xi32>,
    %swap3A_18 = vector.shape_cast %swap3A_17 : vector<16xi32> to vector<16xi32>
    %swap3A_19 = vector.shape_cast %shift_right_logical3A_15 : vector<16xi32> to vector<16xi32>
    tpu.vector_store %arg12[%swap3A_16], %swap3A_19 {strides = array<i32>} : memref<128xi32, #tpu.memory_space<vmem>>, vector<16xi32>,
    %get3A_20 = arith.constant 16 : index
    %get3A_21 = tpu.vector_load %arg8[%get3A_20] {strides = array<i32>} : memref<128xi32, #tpu.memory_space<vmem>>, vector<16xi32>,
    %get3A_22 = vector.shape_cast %get3A_21 : vector<16xi32> to vector<16xi32>
    %shift_right_logical3A_23 = arith.constant 1 : i32
    %shift_right_logical3A_24 = vector.broadcast %shift_right_logical3A_23 : i32 to vector<16xi32>
    %shift_right_logical3A_25 = arith.shrui %get3A_22, %shift_right_logical3A_24 : vector<16xi32>
    %swap3A_26 = arith.constant 16 : index
    %swap3A_27 = tpu.vector_load %arg9[%swap3A_26] {strides = array<i32>} : memref<128xi32, #tpu.memory_space<vmem>>, vector<16xi32>,
    %swap3A_28 = vector.shape_cast %swap3A_27 : vector<16xi32> to vector<16xi32>
    %swap3A_29 = vector.shape_cast %shift_right_logical3A_25 : vector<16xi32> to vector<16xi32>
    tpu.vector_store %arg9[%swap3A_26], %swap3A_29 {strides = array<i32>} : memref<128xi32, #tpu.memory_space<vmem>>, vector<16xi32>,
    %get3A_30 = arith.constant 16 : index
    %get3A_31 = tpu.vector_load %arg11[%get3A_30] {strides = array<i32>} : memref<128xi32, #tpu.memory_space<vmem>>, vector<16xi32>,
    %get3A_32 = vector.shape_cast %get3A_31 : vector<16xi32> to vector<16xi32>
    %shift_right_logical3A_33 = arith.constant 1 : i32
    %shift_right_logical3A_34 = vector.broadcast %shift_right_logical3A_33 : i32 to vector<16xi32>
    %shift_right_logical3A_35 = arith.shrui %get3A_32, %shift_right_logical3A_34 : vector<16xi32>
    %swap3A_36 = arith.constant 16 : index
    %swap3A_37 = tpu.vector_load %arg12[%swap3A_36] {strides = array<i32>} : memref<128xi32, #tpu.memory_space<vmem>>, vector<16xi32>,
    %swap3A_38 = vector.shape_cast %swap3A_37 : vector<16xi32> to vector<16xi32>
    %swap3A_39 = vector.shape_cast %shift_right_logical3A_35 : vector<16xi32> to vector<16xi32>
    tpu.vector_store %arg12[%swap3A_36], %swap3A_39 {strides = array<i32>} : memref<128xi32, #tpu.memory_space<vmem>>, vector<16xi32>,
    %get3A_40 = arith.constant 32 : index
    %get3A_41 = tpu.vector_load %arg8[%get3A_40] {strides = array<i32>} : memref<128xi32, #tpu.memory_space<vmem>>, vector<16xi32>,
    %get3A_42 = vector.shape_cast %get3A_41 : vector<16xi32> to vector<16xi32>
    %shift_right_logical3A_43 = arith.constant 1 : i32
    %shift_right_logical3A_44 = vector.broadcast %shift_right_logical3A_43 : i32 to vector<16xi32>
    %shift_right_logical3A_45 = arith.shrui %get3A_42, %shift_right_logical3A_44 : vector<16xi32>
    %swap3A_46 = arith.constant 32 : index
    %swap3A_47 = tpu.vector_load %arg9[%swap3A_46] {strides = array<i32>} : memref<128xi32, #tpu.memory_space<vmem>>, vector<16xi32>,
    %swap3A_48 = vector.shape_cast %swap3A_47 : vector<16xi32> to vector<16xi32>
    %swap3A_49 = vector.shape_cast %shift_right_logical3A_45 : vector<16xi32> to vector<16xi32>
    tpu.vector_store %arg9[%swap3A_46], %swap3A_49 {strides = array<i32>} : memref<128xi32, #tpu.memory_space<vmem>>, vector<16xi32>,
    %get3A_50 = arith.constant 32 : index
    %get3A_51 = tpu.vector_load %arg11[%get3A_50] {strides = array<i32>} : memref<128xi32, #tpu.memory_space<vmem>>, vector<16xi32>,
    %get3A_52 = vector.shape_cast %get3A_51 : vector<16xi32> to vector<16xi32>
    %shift_right_logical3A_53 = arith.constant 1 : i32
    %shift_right_logical3A_54 = vector.broadcast %shift_right_logical3A_53 : i32 to vector<16xi32>
    %shift_right_logical3A_55 = arith.shrui %get3A_52, %shift_right_logical3A_54 : vector<16xi32>
    %swap3A_56 = arith.constant 32 : index
    %swap3A_57 = tpu.vector_load %arg12[%swap3A_56] {strides = array<i32>} : memref<128xi32, #tpu.memory_space<vmem>>, vector<16xi32>,
    %swap3A_58 = vector.shape_cast %swap3A_57 : vector<16xi32> to vector<16xi32>
    %swap3A_59 = vector.shape_cast %shift_right_logical3A_55 : vector<16xi32> to vector<16xi32>
    tpu.vector_store %arg12[%swap3A_56], %swap3A_59 {strides = array<i32>} : memref<128xi32, #tpu.memory_space<vmem>>, vector<16xi32>,
    %get3A_60 = arith.constant 48 : index
    %get3A_61 = tpu.vector_load %arg8[%get3A_60] {strides = array<i32>} : memref<128xi32, #tpu.memory_space<vmem>>, vector<16xi32>,
    %get3A_62 = vector.shape_cast %get3A_61 : vector<16xi32> to vector<16xi32>
    %shift_right_logical3A_63 = arith.constant 1 : i32
    %shift_right_logical3A_64 = vector.broadcast %shift_right_logical3A_63 : i32 to vector<16xi32>
    %shift_right_logical3A_65 = arith.shrui %get3A_62, %shift_right_logical3A_64 : vector<16xi32>
    %swap3A_66 = arith.constant 48 : index
    %swap3A_67 = tpu.vector_load %arg9[%swap3A_66] {strides = array<i32>} : memref<128xi32, #tpu.memory_space<vmem>>, vector<16xi32>,
    %swap3A_68 = vector.shape_cast %swap3A_67 : vector<16xi32> to vector<16xi32>
    %swap3A_69 = vector.shape_cast %shift_right_logical3A_65 : vector<16xi32> to vector<16xi32>
    tpu.vector_store %arg9[%swap3A_66], %swap3A_69 {strides = array<i32>} : memref<128xi32, #tpu.memory_space<vmem>>, vector<16xi32>,
    %get3A_70 = arith.constant 48 : index
    %get3A_71 = tpu.vector_load %arg11[%get3A_70] {strides = array<i32>} : memref<128xi32, #tpu.memory_space<vmem>>, vector<16xi32>,
    %get3A_72 = vector.shape_cast %get3A_71 : vector<16xi32> to vector<16xi32>
    %shift_right_logical3A_73 = arith.constant 1 : i32
    %shift_right_logical3A_74 = vector.broadcast %shift_right_logical3A_73 : i32 to vector<16xi32>
    %shift_right_logical3A_75 = arith.shrui %get3A_72, %shift_right_logical3A_74 : vector<16xi32>
    %swap3A_76 = arith.constant 48 : index
    %swap3A_77 = tpu.vector_load %arg12[%swap3A_76] {strides = array<i32>} : memref<128xi32, #tpu.memory_space<vmem>>, vector<16xi32>,
    %swap3A_78 = vector.shape_cast %swap3A_77 : vector<16xi32> to vector<16xi32>
    %swap3A_79 = vector.shape_cast %shift_right_logical3A_75 : vector<16xi32> to vector<16xi32>
    tpu.vector_store %arg12[%swap3A_76], %swap3A_79 {strides = array<i32>} : memref<128xi32, #tpu.memory_space<vmem>>, vector<16xi32>,
    %get3A_80 = arith.constant 64 : index
    %get3A_81 = tpu.vector_load %arg8[%get3A_80] {strides = array<i32>} : memref<128xi32, #tpu.memory_space<vmem>>, vector<16xi32>,
    %get3A_82 = vector.shape_cast %get3A_81 : vector<16xi32> to vector<16xi32>
    %shift_right_logical3A_83 = arith.constant 1 : i32
    %shift_right_logical3A_84 = vector.broadcast %shift_right_logical3A_83 : i32 to vector<16xi32>
    %shift_right_logical3A_85 = arith.shrui %get3A_82, %shift_right_logical3A_84 : vector<16xi32>
    %swap3A_86 = arith.constant 64 : index
    %swap3A_87 = tpu.vector_load %arg9[%swap3A_86] {strides = array<i32>} : memref<128xi32, #tpu.memory_space<vmem>>, vector<16xi32>,
    %swap3A_88 = vector.shape_cast %swap3A_87 : vector<16xi32> to vector<16xi32>
    %swap3A_89 = vector.shape_cast %shift_right_logical3A_85 : vector<16xi32> to vector<16xi32>
    tpu.vector_store %arg9[%swap3A_86], %swap3A_89 {strides = array<i32>} : memref<128xi32, #tpu.memory_space<vmem>>, vector<16xi32>,
    %get3A_90 = arith.constant 64 : index
    %get3A_91 = tpu.vector_load %arg11[%get3A_90] {strides = array<i32>} : memref<128xi32, #tpu.memory_space<vmem>>, vector<16xi32>,
    %get3A_92 = vector.shape_cast %get3A_91 : vector<16xi32> to vector<16xi32>
    %shift_right_logical3A_93 = arith.constant 1 : i32
    %shift_right_logical3A_94 = vector.broadcast %shift_right_logical3A_93 : i32 to vector<16xi32>
    %shift_right_logical3A_95 = arith.shrui %get3A_92, %shift_right_logical3A_94 : vector<16xi32>
    %swap3A_96 = arith.constant 64 : index
    %swap3A_97 = tpu.vector_load %arg12[%swap3A_96] {strides = array<i32>} : memref<128xi32, #tpu.memory_space<vmem>>, vector<16xi32>,
    %swap3A_98 = vector.shape_cast %swap3A_97 : vector<16xi32> to vector<16xi32>
    %swap3A_99 = vector.shape_cast %shift_right_logical3A_95 : vector<16xi32> to vector<16xi32>
    tpu.vector_store %arg12[%swap3A_96], %swap3A_99 {strides = array<i32>} : memref<128xi32, #tpu.memory_space<vmem>>, vector<16xi32>,
    %get3A_100 = arith.constant 80 : index
    %get3A_101 = tpu.vector_load %arg8[%get3A_100] {strides = array<i32>} : memref<128xi32, #tpu.memory_space<vmem>>, vector<16xi32>,
    %get3A_102 = vector.shape_cast %get3A_101 : vector<16xi32> to vector<16xi32>
    %shift_right_logical3A_103 = arith.constant 1 : i32
    %shift_right_logical3A_104 = vector.broadcast %shift_right_logical3A_103 : i32 to vector<16xi32>
    %shift_right_logical3A_105 = arith.shrui %get3A_102, %shift_right_logical3A_104 : vector<16xi32>
    %swap3A_106 = arith.constant 80 : index
    %swap3A_107 = tpu.vector_load %arg9[%swap3A_106] {strides = array<i32>} : memref<128xi32, #tpu.memory_space<vmem>>, vector<16xi32>,
    %swap3A_108 = vector.shape_cast %swap3A_107 : vector<16xi32> to vector<16xi32>
    %swap3A_109 = vector.shape_cast %shift_right_logical3A_105 : vector<16xi32> to vector<16xi32>
    tpu.vector_store %arg9[%swap3A_106], %swap3A_109 {strides = array<i32>} : memref<128xi32, #tpu.memory_space<vmem>>, vector<16xi32>,
    %get3A_110 = arith.constant 80 : index
    %get3A_111 = tpu.vector_load %arg11[%get3A_110] {strides = array<i32>} : memref<128xi32, #tpu.memory_space<vmem>>, vector<16xi32>,
    %get3A_112 = vector.shape_cast %get3A_111 : vector<16xi32> to vector<16xi32>
    %shift_right_logical3A_113 = arith.constant 1 : i32
    %shift_right_logical3A_114 = vector.broadcast %shift_right_logical3A_113 : i32 to vector<16xi32>
    %shift_right_logical3A_115 = arith.shrui %get3A_112, %shift_right_logical3A_114 : vector<16xi32>
    %swap3A_116 = arith.constant 80 : index
    %swap3A_117 = tpu.vector_load %arg12[%swap3A_116] {strides = array<i32>} : memref<128xi32, #tpu.memory_space<vmem>>, vector<16xi32>,
    %swap3A_118 = vector.shape_cast %swap3A_117 : vector<16xi32> to vector<16xi32>
    %swap3A_119 = vector.shape_cast %shift_right_logical3A_115 : vector<16xi32> to vector<16xi32>
    tpu.vector_store %arg12[%swap3A_116], %swap3A_119 {strides = array<i32>} : memref<128xi32, #tpu.memory_space<vmem>>, vector<16xi32>,
    %get3A_120 = arith.constant 96 : index
    %get3A_121 = tpu.vector_load %arg8[%get3A_120] {strides = array<i32>} : memref<128xi32, #tpu.memory_space<vmem>>, vector<16xi32>,
    %get3A_122 = vector.shape_cast %get3A_121 : vector<16xi32> to vector<16xi32>
    %shift_right_logical3A_123 = arith.constant 1 : i32
    %shift_right_logical3A_124 = vector.broadcast %shift_right_logical3A_123 : i32 to vector<16xi32>
    %shift_right_logical3A_125 = arith.shrui %get3A_122, %shift_right_logical3A_124 : vector<16xi32>
    %swap3A_126 = arith.constant 96 : index
    %swap3A_127 = tpu.vector_load %arg9[%swap3A_126] {strides = array<i32>} : memref<128xi32, #tpu.memory_space<vmem>>, vector<16xi32>,
    %swap3A_128 = vector.shape_cast %swap3A_127 : vector<16xi32> to vector<16xi32>
    %swap3A_129 = vector.shape_cast %shift_right_logical3A_125 : vector<16xi32> to vector<16xi32>
    tpu.vector_store %arg9[%swap3A_126], %swap3A_129 {strides = array<i32>} : memref<128xi32, #tpu.memory_space<vmem>>, vector<16xi32>,
    %get3A_130 = arith.constant 96 : index
    %get3A_131 = tpu.vector_load %arg11[%get3A_130] {strides = array<i32>} : memref<128xi32, #tpu.memory_space<vmem>>, vector<16xi32>,
    %get3A_132 = vector.shape_cast %get3A_131 : vector<16xi32> to vector<16xi32>
    %shift_right_logical3A_133 = arith.constant 1 : i32
    %shift_right_logical3A_134 = vector.broadcast %shift_right_logical3A_133 : i32 to vector<16xi32>
    %shift_right_logical3A_135 = arith.shrui %get3A_132, %shift_right_logical3A_134 : vector<16xi32>
    %swap3A_136 = arith.constant 96 : index
    %swap3A_137 = tpu.vector_load %arg12[%swap3A_136] {strides = array<i32>} : memref<128xi32, #tpu.memory_space<vmem>>, vector<16xi32>,
    %swap3A_138 = vector.shape_cast %swap3A_137 : vector<16xi32> to vector<16xi32>
    %swap3A_139 = vector.shape_cast %shift_right_logical3A_135 : vector<16xi32> to vector<16xi32>
    tpu.vector_store %arg12[%swap3A_136], %swap3A_139 {strides = array<i32>} : memref<128xi32, #tpu.memory_space<vmem>>, vector<16xi32>,
    %get3A_140 = arith.constant 112 : index
    %get3A_141 = tpu.vector_load %arg8[%get3A_140] {strides = array<i32>} : memref<128xi32, #tpu.memory_space<vmem>>, vector<16xi32>,
    %get3A_142 = vector.shape_cast %get3A_141 : vector<16xi32> to vector<16xi32>
    %shift_right_logical3A_143 = arith.constant 1 : i32
    %shift_right_logical3A_144 = vector.broadcast %shift_right_logical3A_143 : i32 to vector<16xi32>
    %shift_right_logical3A_145 = arith.shrui %get3A_142, %shift_right_logical3A_144 : vector<16xi32>
    %swap3A_146 = arith.constant 112 : index
    %swap3A_147 = tpu.vector_load %arg9[%swap3A_146] {strides = array<i32>} : memref<128xi32, #tpu.memory_space<vmem>>, vector<16xi32>,
    %swap3A_148 = vector.shape_cast %swap3A_147 : vector<16xi32> to vector<16xi32>
    %swap3A_149 = vector.shape_cast %shift_right_logical3A_145 : vector<16xi32> to vector<16xi32>
    tpu.vector_store %arg9[%swap3A_146], %swap3A_149 {strides = array<i32>} : memref<128xi32, #tpu.memory_space<vmem>>, vector<16xi32>,
    %get3A_150 = arith.constant 112 : index
    %get3A_151 = tpu.vector_load %arg11[%get3A_150] {strides = array<i32>} : memref<128xi32, #tpu.memory_space<vmem>>, vector<16xi32>,
    %get3A_152 = vector.shape_cast %get3A_151 : vector<16xi32> to vector<16xi32>
    %shift_right_logical3A_153 = arith.constant 1 : i32
    %shift_right_logical3A_154 = vector.broadcast %shift_right_logical3A_153 : i32 to vector<16xi32>
    %shift_right_logical3A_155 = arith.shrui %get3A_152, %shift_right_logical3A_154 : vector<16xi32>
    %swap3A_156 = arith.constant 112 : index
    %swap3A_157 = tpu.vector_load %arg12[%swap3A_156] {strides = array<i32>} : memref<128xi32, #tpu.memory_space<vmem>>, vector<16xi32>,
    %swap3A_158 = vector.shape_cast %swap3A_157 : vector<16xi32> to vector<16xi32>
    %swap3A_159 = vector.shape_cast %shift_right_logical3A_155 : vector<16xi32> to vector<16xi32>
    tpu.vector_store %arg12[%swap3A_156], %swap3A_159 {strides = array<i32>} : memref<128xi32, #tpu.memory_space<vmem>>, vector<16xi32>,
    %dma_start3A = arith.constant 0 : i32
    %dma_start3A_160 = arith.constant 0 : i32
    %dma_start3A_161 = tpu.memref_slice %arg2[%dma_start3A, %dma_start3A_160] : memref<500000x128xf32, #tpu.memory_space<hbm>> -> memref<500000x128xf32, #tpu.memory_space<hbm>>
    tpu.enqueue_indirect_dma source(%dma_start3A_161 : memref<500000x128xf32, #tpu.memory_space<hbm>>) target(%arg10 : memref<128x128xf32, #tpu.memory_space<vmem>>) offsets(%arg9 : memref<128xi32, #tpu.memory_space<vmem>>) semaphore(%arg14 : memref<!tpu.dma_semaphore, #tpu.memory_space<semaphore_mem>>)
    %dma_start3A_162 = arith.constant 0 : i32
    %dma_start3A_163 = arith.constant 0 : i32
    %dma_start3A_164 = tpu.memref_slice %arg3[%dma_start3A_162, %dma_start3A_163] : memref<500000x128xf32, #tpu.memory_space<hbm>> -> memref<500000x128xf32, #tpu.memory_space<hbm>>
    tpu.enqueue_indirect_dma source(%dma_start3A_164 : memref<500000x128xf32, #tpu.memory_space<hbm>>) target(%arg13 : memref<128x128xf32, #tpu.memory_space<vmem>>) offsets(%arg12 : memref<128xi32, #tpu.memory_space<vmem>>) semaphore(%arg15 : memref<!tpu.dma_semaphore, #tpu.memory_space<semaphore_mem>>)
    %dma_wait3A = arith.constant 0 : i32
    %dma_wait3A_165 = arith.constant 0 : i32
    %dma_wait3A_166 = tpu.memref_slice %arg2[%dma_wait3A, %dma_wait3A_165] : memref<500000x128xf32, #tpu.memory_space<hbm>> -> memref<500000x128xf32, #tpu.memory_space<hbm>>
    tpu.wait_indirect_dma semaphore(%arg14 : memref<!tpu.dma_semaphore, #tpu.memory_space<semaphore_mem>>) src(%dma_wait3A_166 : memref<500000x128xf32, #tpu.memory_space<hbm>>) dst(%arg10 : memref<128x128xf32, #tpu.memory_space<vmem>>)
    %dma_wait3A_167 = arith.constant 0 : i32
    %dma_wait3A_168 = arith.constant 0 : i32
    %dma_wait3A_169 = tpu.memref_slice %arg3[%dma_wait3A_167, %dma_wait3A_168] : memref<500000x128xf32, #tpu.memory_space<hbm>> -> memref<500000x128xf32, #tpu.memory_space<hbm>>
    tpu.wait_indirect_dma semaphore(%arg15 : memref<!tpu.dma_semaphore, #tpu.memory_space<semaphore_mem>>) src(%dma_wait3A_169 : memref<500000x128xf32, #tpu.memory_space<hbm>>) dst(%arg13 : memref<128x128xf32, #tpu.memory_space<vmem>>)
    "tpu.region"() ({
      %run_scoped3A = tpu.sem_alloc : memref<!tpu.dma_semaphore, #tpu.memory_space<semaphore_mem>>
      %dma_start3A_170 = arith.constant 0 : i32
      %dma_start3A_171 = tpu.memref_slice %arg6[%mul3A_2, %dma_start3A_170] : memref<4096x128xf32, #tpu.memory_space<hbm>> -> memref<128x128xf32, #tpu.memory_space<hbm>>
      %dma_start3A_172 = arith.constant 0 : i32
      %dma_start3A_173 = tpu.memref_slice %arg6[%mul3A_2, %dma_start3A_172] : memref<4096x128xf32, #tpu.memory_space<hbm>> -> memref<128x128xf32, #tpu.memory_space<hbm>>
      tpu.enqueue_dma source(%arg10 : memref<128x128xf32, #tpu.memory_space<vmem>>) target(%dma_start3A_173 : memref<128x128xf32, #tpu.memory_space<hbm>>) target_semaphore(%run_scoped3A : memref<!tpu.dma_semaphore, #tpu.memory_space<semaphore_mem>>)
      %dma_wait3A_174 = arith.constant 0 : i32
      %dma_wait3A_175 = tpu.memref_slice %arg6[%mul3A_2, %dma_wait3A_174] : memref<4096x128xf32, #tpu.memory_space<hbm>> -> memref<128x128xf32, #tpu.memory_space<hbm>>
      %dma_wait3A_176 = arith.constant 0 : i32
      %dma_wait3A_177 = tpu.memref_slice %arg6[%mul3A_2, %dma_wait3A_176] : memref<4096x128xf32, #tpu.memory_space<hbm>> -> memref<128x128xf32, #tpu.memory_space<hbm>>
      tpu.wait_dma2 semaphore(%run_scoped3A : memref<!tpu.dma_semaphore, #tpu.memory_space<semaphore_mem>>) src(%arg10 : memref<128x128xf32, #tpu.memory_space<vmem>>) dst(%dma_wait3A_177 : memref<128x128xf32, #tpu.memory_space<hbm>>)
      tpu.yield
    }) : () -> ()
    "tpu.region"() ({
      %run_scoped3A = tpu.sem_alloc : memref<!tpu.dma_semaphore, #tpu.memory_space<semaphore_mem>>
      %dma_start3A_170 = arith.constant 0 : i32
      %dma_start3A_171 = tpu.memref_slice %arg7[%mul3A_2, %dma_start3A_170] : memref<4096x128xf32, #tpu.memory_space<hbm>> -> memref<128x128xf32, #tpu.memory_space<hbm>>
      %dma_start3A_172 = arith.constant 0 : i32
      %dma_start3A_173 = tpu.memref_slice %arg7[%mul3A_2, %dma_start3A_172] : memref<4096x128xf32, #tpu.memory_space<hbm>> -> memref<128x128xf32, #tpu.memory_space<hbm>>
      tpu.enqueue_dma source(%arg13 : memref<128x128xf32, #tpu.memory_space<vmem>>) target(%dma_start3A_173 : memref<128x128xf32, #tpu.memory_space<hbm>>) target_semaphore(%run_scoped3A : memref<!tpu.dma_semaphore, #tpu.memory_space<semaphore_mem>>)
      %dma_wait3A_174 = arith.constant 0 : i32
      %dma_wait3A_175 = tpu.memref_slice %arg7[%mul3A_2, %dma_wait3A_174] : memref<4096x128xf32, #tpu.memory_space<hbm>> -> memref<128x128xf32, #tpu.memory_space<hbm>>
      %dma_wait3A_176 = arith.constant 0 : i32
      %dma_wait3A_177 = tpu.memref_slice %arg7[%mul3A_2, %dma_wait3A_176] : memref<4096x128xf32, #tpu.memory_space<hbm>> -> memref<128x128xf32, #tpu.memory_space<hbm>>
      tpu.wait_dma2 semaphore(%run_scoped3A : memref<!tpu.dma_semaphore, #tpu.memory_space<semaphore_mem>>) src(%arg13 : memref<128x128xf32, #tpu.memory_space<vmem>>) dst(%dma_wait3A_177 : memref<128x128xf32, #tpu.memory_space<hbm>>)
      tpu.yield
    }) : () -> ()
    return
  }
}

module attributes {stable_mosaic.version = 14 : i64} {
  func.func @_loss_body(%arg0: i32, %arg1: memref<4096x128xf32, #tpu.memory_space<vmem>>, %arg2: memref<4096x128xf32, #tpu.memory_space<vmem>>, %arg3: memref<4096x1xi32, #tpu.memory_space<vmem>>, %arg4: memref<4096x1xi32, #tpu.memory_space<vmem>>, %arg5: memref<4xf32, #tpu.memory_space<smem>>, %arg6: memref<4096x64xbf16, #tpu.memory_space<vmem>>, %arg7: memref<4096x64xbf16, #tpu.memory_space<vmem>>) attributes {dimension_semantics = [#tpu.dimension_semantics<arbitrary>], iteration_bounds = array<i64: 16>, scalar_prefetch = 0 : i64, scratch_operands = 2 : i64, tpu.core_type = #tpu.core_type<tc>, window_params = [{pipeline_mode = #tpu.pipeline_mode<synchronous>, transform_indices = @transform_0, window_bounds = array<i64: 4096, 128>}, {pipeline_mode = #tpu.pipeline_mode<synchronous>, transform_indices = @transform_1, window_bounds = array<i64: 4096, 128>}, {pipeline_mode = #tpu.pipeline_mode<synchronous>, transform_indices = @transform_2, window_bounds = array<i64: 4096, 1>}, {pipeline_mode = #tpu.pipeline_mode<synchronous>, transform_indices = @transform_3, window_bounds = array<i64: 4096, 1>}, {transform_indices = @transform_4, window_bounds = array<i64: 4>}]} {
    %eq3A = arith.constant 0 : i32
    %eq3A_0 = arith.cmpi eq, %arg0, %eq3A : i32
    %convert_element_type3A = arith.extui %eq3A_0 : i1 to i32
    %cond3A = arith.constant 0 : i32
    %cond3A_1 = arith.cmpi ne, %convert_element_type3A, %cond3A : i32
    scf.if %cond3A_1 {
      %get3A_53 = arith.constant 0 : index
      %get3A_54 = arith.constant 0 : index
      %get3A_55 = vector.load %arg3[%get3A_53, %get3A_54] : memref<4096x1xi32, #tpu.memory_space<vmem>>, vector<4096x1xi32>
      %rem3A = arith.constant 2 : i32
      %rem3A_56 = vector.broadcast %rem3A : i32 to vector<4096x1xi32>
      %rem3A_57 = arith.remsi %get3A_55, %rem3A_56 : vector<4096x1xi32>
      %eq3A_58 = arith.constant 1 : i32
      %eq3A_59 = vector.broadcast %eq3A_58 : i32 to vector<4096x1xi32>
      %eq3A_60 = arith.cmpi eq, %rem3A_57, %eq3A_59 : vector<4096x1xi32>
      %get3A_61 = arith.constant 0 : index
      %get3A_62 = arith.constant 0 : index
      %get3A_63 = vector.load %arg4[%get3A_61, %get3A_62] : memref<4096x1xi32, #tpu.memory_space<vmem>>, vector<4096x1xi32>
      %rem3A_64 = arith.constant 2 : i32
      %rem3A_65 = vector.broadcast %rem3A_64 : i32 to vector<4096x1xi32>
      %rem3A_66 = arith.remsi %get3A_63, %rem3A_65 : vector<4096x1xi32>
      %eq3A_67 = arith.constant 1 : i32
      %eq3A_68 = vector.broadcast %eq3A_67 : i32 to vector<4096x1xi32>
      %eq3A_69 = arith.cmpi eq, %rem3A_66, %eq3A_68 : vector<4096x1xi32>
      %get3A_70 = arith.constant 0 : index
      %get3A_71 = arith.constant 64 : index
      %get3A_72 = vector.load %arg1[%get3A_70, %get3A_71] : memref<4096x128xf32, #tpu.memory_space<vmem>>, vector<4096x64xf32>
      %get3A_73 = arith.constant 0 : index
      %get3A_74 = arith.constant 0 : index
      %get3A_75 = vector.load %arg1[%get3A_73, %get3A_74] : memref<4096x128xf32, #tpu.memory_space<vmem>>, vector<4096x64xf32>
      %broadcast_in_dim3A = vector.shape_cast %eq3A_60 : vector<4096x1xi1> to vector<4096x1xi1>
      %broadcast_in_dim3A_76 = vector.broadcast %broadcast_in_dim3A : vector<4096x1xi1> to vector<4096x64xi1>
      %select_n3A = arith.select %broadcast_in_dim3A_76, %get3A_72, %get3A_75 : vector<4096x64xi1>, vector<4096x64xf32>
      %get3A_77 = arith.constant 0 : index
      %get3A_78 = arith.constant 64 : index
      %get3A_79 = vector.load %arg2[%get3A_77, %get3A_78] : memref<4096x128xf32, #tpu.memory_space<vmem>>, vector<4096x64xf32>
      %get3A_80 = arith.constant 0 : index
      %get3A_81 = arith.constant 0 : index
      %get3A_82 = vector.load %arg2[%get3A_80, %get3A_81] : memref<4096x128xf32, #tpu.memory_space<vmem>>, vector<4096x64xf32>
      %broadcast_in_dim3A_83 = vector.shape_cast %eq3A_69 : vector<4096x1xi1> to vector<4096x1xi1>
      %broadcast_in_dim3A_84 = vector.broadcast %broadcast_in_dim3A_83 : vector<4096x1xi1> to vector<4096x64xi1>
      %select_n3A_85 = arith.select %broadcast_in_dim3A_84, %get3A_79, %get3A_82 : vector<4096x64xi1>, vector<4096x64xf32>
      %mul3A_86 = arith.mulf %select_n3A, %select_n3A : vector<4096x64xf32>
      %reduce_sum3A_87 = arith.constant dense<0.000000e+00> : vector<4096xf32>
      %reduce_sum3A_88 = vector.multi_reduction <add>, %mul3A_86, %reduce_sum3A_87 [1] : vector<4096x64xf32> to vector<4096xf32>
      %broadcast_in_dim3A_89 = vector.shape_cast %reduce_sum3A_88 : vector<4096xf32> to vector<4096x1xf32>
      %mul3A_90 = arith.mulf %select_n3A_85, %select_n3A_85 : vector<4096x64xf32>
      %reduce_sum3A_91 = arith.constant dense<0.000000e+00> : vector<4096xf32>
      %reduce_sum3A_92 = vector.multi_reduction <add>, %mul3A_90, %reduce_sum3A_91 [1] : vector<4096x64xf32> to vector<4096xf32>
      %broadcast_in_dim3A_93 = vector.shape_cast %reduce_sum3A_92 : vector<4096xf32> to vector<4096x1xf32>
      %sqrt3A = math.sqrt %broadcast_in_dim3A_89 : vector<4096x1xf32>
      %div3A = vector.broadcast %sqrt3A : vector<4096x1xf32> to vector<4096x64xf32>
      %div3A_94 = arith.divf %select_n3A, %div3A : vector<4096x64xf32>
      %sqrt3A_95 = math.sqrt %broadcast_in_dim3A_93 : vector<4096x1xf32>
      %div3A_96 = vector.broadcast %sqrt3A_95 : vector<4096x1xf32> to vector<4096x64xf32>
      %div3A_97 = arith.divf %select_n3A_85, %div3A_96 : vector<4096x64xf32>
      %convert_element_type3A_98 = arith.truncf %div3A_94 : vector<4096x64xf32> to vector<4096x64xbf16>
      %swap3A_99 = arith.constant 0 : index
      %swap3A_100 = arith.constant 0 : index
      %swap3A_101 = vector.load %arg6[%swap3A_99, %swap3A_100] : memref<4096x64xbf16, #tpu.memory_space<vmem>>, vector<4096x64xbf16>
      tpu.vector_store %arg6[%swap3A_99, %swap3A_100], %convert_element_type3A_98 {strides = array<i32>} : memref<4096x64xbf16, #tpu.memory_space<vmem>>, vector<4096x64xbf16>,
      %convert_element_type3A_102 = arith.truncf %div3A_97 : vector<4096x64xf32> to vector<4096x64xbf16>
      %swap3A_103 = arith.constant 0 : index
      %swap3A_104 = arith.constant 0 : index
      %swap3A_105 = vector.load %arg7[%swap3A_103, %swap3A_104] : memref<4096x64xbf16, #tpu.memory_space<vmem>>, vector<4096x64xbf16>
      tpu.vector_store %arg7[%swap3A_103, %swap3A_104], %convert_element_type3A_102 {strides = array<i32>} : memref<4096x64xbf16, #tpu.memory_space<vmem>>, vector<4096x64xbf16>,
      %sub3A_106 = arith.subf %div3A_94, %div3A_97 : vector<4096x64xf32>
      %integer_pow3A = arith.mulf %sub3A_106, %sub3A_106 : vector<4096x64xf32>
      %reduce_sum3A_107 = vector.shape_cast %integer_pow3A : vector<4096x64xf32> to vector<1x4096x64xf32>
      %reduce_sum3A_108 = arith.constant dense<0.000000e+00> : vector<1xf32>
      %reduce_sum3A_109 = vector.multi_reduction <add>, %reduce_sum3A_107, %reduce_sum3A_108 [1, 2] : vector<1x4096x64xf32> to vector<1xf32>
      %reduce_sum3A_110 = vector.shape_cast %reduce_sum3A_109 : vector<1xf32> to vector<1x1x1xf32>
      %reduce_sum3A_111 = vector.extract %reduce_sum3A_110[0, 0, 0] : f32 from vector<1x1x1xf32>
      %swap3A_112 = arith.constant 0 : index
      %swap3A_113 = memref.load %arg5[%swap3A_112] : memref<4xf32, #tpu.memory_space<smem>>
      memref.store %reduce_sum3A_111, %arg5[%swap3A_112] : memref<4xf32, #tpu.memory_space<smem>>
      %reduce_sum3A_114 = vector.shape_cast %broadcast_in_dim3A_89 : vector<4096x1xf32> to vector<1x4096x1xf32>
      %reduce_sum3A_115 = arith.constant dense<0.000000e+00> : vector<1xf32>
      %reduce_sum3A_116 = vector.multi_reduction <add>, %reduce_sum3A_114, %reduce_sum3A_115 [1, 2] : vector<1x4096x1xf32> to vector<1xf32>
      %reduce_sum3A_117 = vector.shape_cast %reduce_sum3A_116 : vector<1xf32> to vector<1x1x1xf32>
      %reduce_sum3A_118 = vector.extract %reduce_sum3A_117[0, 0, 0] : f32 from vector<1x1x1xf32>
      %reduce_sum3A_119 = vector.shape_cast %broadcast_in_dim3A_93 : vector<4096x1xf32> to vector<1x4096x1xf32>
      %reduce_sum3A_120 = arith.constant dense<0.000000e+00> : vector<1xf32>
      %reduce_sum3A_121 = vector.multi_reduction <add>, %reduce_sum3A_119, %reduce_sum3A_120 [1, 2] : vector<1x4096x1xf32> to vector<1xf32>
      %reduce_sum3A_122 = vector.shape_cast %reduce_sum3A_121 : vector<1xf32> to vector<1x1x1xf32>
      %reduce_sum3A_123 = vector.extract %reduce_sum3A_122[0, 0, 0] : f32 from vector<1x1x1xf32>
      %add3A_124 = arith.addf %reduce_sum3A_118, %reduce_sum3A_123 : f32
      %swap3A_125 = arith.constant 1 : index
      %swap3A_126 = memref.load %arg5[%swap3A_125] : memref<4xf32, #tpu.memory_space<smem>>
      memref.store %add3A_124, %arg5[%swap3A_125] : memref<4xf32, #tpu.memory_space<smem>>
      %swap3A_127 = arith.constant -4.096000e+03 : f32
      %swap3A_128 = arith.constant 2 : index
      %swap3A_129 = memref.load %arg5[%swap3A_128] : memref<4xf32, #tpu.memory_space<smem>>
      memref.store %swap3A_127, %arg5[%swap3A_128] : memref<4xf32, #tpu.memory_space<smem>>
      %swap3A_130 = arith.constant -4.096000e+03 : f32
      %swap3A_131 = arith.constant 3 : index
      %swap3A_132 = memref.load %arg5[%swap3A_131] : memref<4xf32, #tpu.memory_space<smem>>
      memref.store %swap3A_130, %arg5[%swap3A_131] : memref<4xf32, #tpu.memory_space<smem>>
    } else {
    }
    %mul3A = arith.constant 256 : i32
    %mul3A_2 = arith.muli %arg0, %mul3A : i32
    %get3A = arith.index_cast %mul3A_2 : i32 to index
    %get3A_3 = arith.constant 0 : index
    %get3A_4 = vector.load %arg6[%get3A, %get3A_3] : memref<4096x64xbf16, #tpu.memory_space<vmem>>, vector<256x64xbf16>
    %get3A_5 = arith.constant 0 : index
    %get3A_6 = arith.constant 0 : index
    %get3A_7 = vector.load %arg6[%get3A_5, %get3A_6] : memref<4096x64xbf16, #tpu.memory_space<vmem>>, vector<4096x64xbf16>
    %dot_general3A = arith.constant dense<0.000000e+00> : vector<256x4096xf32>
    %dot_general3A_8 = tpu.matmul %get3A_4, %get3A_7, %dot_general3A {dimension_numbers = #tpu.dot_dimension_numbers<[1], [1], [0], [0], [0, 0, 1, 0], [], []>, transpose_lhs_hint = false} : vector<256x64xbf16>, vector<4096x64xbf16>, vector<256x4096xf32> -> vector<256x4096xf32>
    %mul3A_9 = arith.constant 256 : i32
    %mul3A_10 = arith.muli %arg0, %mul3A_9 : i32
    %get3A_11 = arith.index_cast %mul3A_10 : i32 to index
    %get3A_12 = arith.constant 0 : index
    %get3A_13 = vector.load %arg7[%get3A_11, %get3A_12] : memref<4096x64xbf16, #tpu.memory_space<vmem>>, vector<256x64xbf16>
    %get3A_14 = arith.constant 0 : index
    %get3A_15 = arith.constant 0 : index
    %get3A_16 = vector.load %arg7[%get3A_14, %get3A_15] : memref<4096x64xbf16, #tpu.memory_space<vmem>>, vector<4096x64xbf16>
    %dot_general3A_17 = arith.constant dense<0.000000e+00> : vector<256x4096xf32>
    %dot_general3A_18 = tpu.matmul %get3A_13, %get3A_16, %dot_general3A_17 {dimension_numbers = #tpu.dot_dimension_numbers<[1], [1], [0], [0], [0, 0, 1, 0], [], []>, transpose_lhs_hint = false} : vector<256x64xbf16>, vector<4096x64xbf16>, vector<256x4096xf32> -> vector<256x4096xf32>
    %get3A_19 = arith.constant 2 : index
    %get3A_20 = memref.load %arg5[%get3A_19] : memref<4xf32, #tpu.memory_space<smem>>
    %mul3A_21 = arith.constant 4.000000e+00 : f32
    %mul3A_22 = vector.broadcast %mul3A_21 : f32 to vector<256x4096xf32>
    %mul3A_23 = arith.mulf %mul3A_22, %dot_general3A_8 : vector<256x4096xf32>
    %sub3A = arith.constant 4.000000e+00 : f32
    %sub3A_24 = vector.broadcast %sub3A : f32 to vector<256x4096xf32>
    %sub3A_25 = arith.subf %mul3A_23, %sub3A_24 : vector<256x4096xf32>
    %min3A = arith.constant 0.000000e+00 : f32
    %min3A_26 = vector.broadcast %min3A : f32 to vector<256x4096xf32>
    %min3A_27 = arith.minimumf %sub3A_25, %min3A_26 : vector<256x4096xf32>
    %exp3A = math.exp %min3A_27 : vector<256x4096xf32>
    %reduce_sum3A = vector.shape_cast %exp3A : vector<256x4096xf32> to vector<1x256x4096xf32>
    %reduce_sum3A_28 = arith.constant dense<0.000000e+00> : vector<1xf32>
    %reduce_sum3A_29 = vector.multi_reduction <add>, %reduce_sum3A, %reduce_sum3A_28 [1, 2] : vector<1x256x4096xf32> to vector<1xf32>
    %reduce_sum3A_30 = vector.shape_cast %reduce_sum3A_29 : vector<1xf32> to vector<1x1x1xf32>
    %reduce_sum3A_31 = vector.extract %reduce_sum3A_30[0, 0, 0] : f32 from vector<1x1x1xf32>
    %add3A = arith.addf %get3A_20, %reduce_sum3A_31 : f32
    %swap3A = arith.constant 2 : index
    %swap3A_32 = memref.load %arg5[%swap3A] : memref<4xf32, #tpu.memory_space<smem>>
    memref.store %add3A, %arg5[%swap3A] : memref<4xf32, #tpu.memory_space<smem>>
    %get3A_33 = arith.constant 3 : index
    %get3A_34 = memref.load %arg5[%get3A_33] : memref<4xf32, #tpu.memory_space<smem>>
    %mul3A_35 = arith.constant 4.000000e+00 : f32
    %mul3A_36 = vector.broadcast %mul3A_35 : f32 to vector<256x4096xf32>
    %mul3A_37 = arith.mulf %mul3A_36, %dot_general3A_18 : vector<256x4096xf32>
    %sub3A_38 = arith.constant 4.000000e+00 : f32
    %sub3A_39 = vector.broadcast %sub3A_38 : f32 to vector<256x4096xf32>
    %sub3A_40 = arith.subf %mul3A_37, %sub3A_39 : vector<256x4096xf32>
    %min3A_41 = arith.constant 0.000000e+00 : f32
    %min3A_42 = vector.broadcast %min3A_41 : f32 to vector<256x4096xf32>
    %min3A_43 = arith.minimumf %sub3A_40, %min3A_42 : vector<256x4096xf32>
    %exp3A_44 = math.exp %min3A_43 : vector<256x4096xf32>
    %reduce_sum3A_45 = vector.shape_cast %exp3A_44 : vector<256x4096xf32> to vector<1x256x4096xf32>
    %reduce_sum3A_46 = arith.constant dense<0.000000e+00> : vector<1xf32>
    %reduce_sum3A_47 = vector.multi_reduction <add>, %reduce_sum3A_45, %reduce_sum3A_46 [1, 2] : vector<1x256x4096xf32> to vector<1xf32>
    %reduce_sum3A_48 = vector.shape_cast %reduce_sum3A_47 : vector<1xf32> to vector<1x1x1xf32>
    %reduce_sum3A_49 = vector.extract %reduce_sum3A_48[0, 0, 0] : f32 from vector<1x1x1xf32>
    %add3A_50 = arith.addf %get3A_34, %reduce_sum3A_49 : f32
    %swap3A_51 = arith.constant 3 : index
    %swap3A_52 = memref.load %arg5[%swap3A_51] : memref<4xf32, #tpu.memory_space<smem>>
    memref.store %add3A_50, %arg5[%swap3A_51] : memref<4xf32, #tpu.memory_space<smem>>
    return
  }
  func.func @transform_0(%arg0: i32) -> (i32, i32) {
    %c0_i32 = arith.constant 0 : i32
    %c0_i32_0 = arith.constant 0 : i32
    %c0_i32_1 = arith.constant 0 : i32
    return %c0_i32, %c0_i32_0 : i32, i32
  }
  func.func @transform_1(%arg0: i32) -> (i32, i32) {
    %c0_i32 = arith.constant 0 : i32
    %c0_i32_0 = arith.constant 0 : i32
    %c0_i32_1 = arith.constant 0 : i32
    return %c0_i32, %c0_i32_0 : i32, i32
  }
  func.func @transform_2(%arg0: i32) -> (i32, i32) {
    %c0_i32 = arith.constant 0 : i32
    %c0_i32_0 = arith.constant 0 : i32
    %c0_i32_1 = arith.constant 0 : i32
    return %c0_i32, %c0_i32_0 : i32, i32
  }
  func.func @transform_3(%arg0: i32) -> (i32, i32) {
    %c0_i32 = arith.constant 0 : i32
    %c0_i32_0 = arith.constant 0 : i32
    %c0_i32_1 = arith.constant 0 : i32
    return %c0_i32, %c0_i32_0 : i32, i32
  }
  func.func @transform_4(%arg0: i32) -> i32 {
    %c0_i32 = arith.constant 0 : i32
    %c0_i32_0 = arith.constant 0 : i32
    return %c0_i32 : i32
  }
}

</mosaic_0001>

<sc_bundles>
// kernel: kernel.4.cloned.1.call-start
scs
__scs_entry_jumppad:
0x0: {  	(pc) =	sbr.rel $0x88, $3  }
0x1: {  	(tag) =	ssettag $0x0;
	lr =	simm.s32 $0x1  }
0x2: {  	[smem:$0x3F9D] =	sst lr;
	_ =	strace $0xD0000000  }
0x3: {  	_ = 	snop  }
0x4: {  	_ = 	snop  }
0x5: {  	_ = 	snop  }
0x6: {  	_ = 	snop  }
0x7: {  	_ = 	snop  }
__scs_overlays_trampoline_lowered:
0x8: {  	[smem:$0x3FAC] =	sst s0  }
0x9: {  	[smem:$0x3FAD] =	sst s1  }
0xa: {  	[smem:$0x3FAE] =	sst s2  }
0xb: {  	[smem:$0x3FAF] =	sst s3  }
0xc: {  	[smem:$0x3FB0] =	sst s4  }
0xd: {  	[smem:$0x3FB1] =	sst s5  }
0xe: {  	[smem:$0x3FB2] =	sst s6  }
0xf: {  	[smem:$0x3FB3] =	sst s7  }
0x10: {  	[smem:$0x3FB4] =	sst s8  }
0x11: {  	[smem:$0x3FB5] =	sst s9;
	s0 =	simm.s32 @!p0 $0x0  }
0x12: {  	s1 =	sld [smem:$0x3F9B];
	s0 =	simm.s32 @p0 $0x1  }
0x13: {  	[smem:$0x3FB6] =	sst s0;
	s0 =	simm.s32 @!p1 $0x0  }
0x14: {  	s2 =	sld [smem:$0x3F9A];
	s0 =	simm.s32 @p1 $0x1  }
0x15: {  	[smem:$0x3FB7] =	sst s0;
	s0 =	simm.s32 @!p2 $0x0  }
0x16: {  	s3 =	sld [smem:$0x3FDB];
	s0 =	simm.s32 @p2 $0x1  }
0x17: {  	s4 =	simm.s32 $0x1BF5;
	[smem:$0x3FB9] =	sst s0  }
0x18: {  	s0 =	sld [smem:$0x3F9C];
	_ =	swait.ge [sflag:s4], $0x0  }
0x19: {  	s7 =	sld [smem:$0x3F9D]  }
0x1a: {  	s8 =	sadd.s32 $0xFFFFE003, lr  }
0x1b: {  	s9 =	sadd.s32 $0xFFFFFEF7, lr;
	s5 =	simm.s32 $0xFFFFFFFF;
	p2 =	slt.u32 s8, $0xFFFFF086  }
0x1c: {  	p1 =	slt.u32 s9, $0xF7A;
	s5 =	simm.s32 @!p2 $0x0  }
0x1d: {  	s5 =	simm.s32 @p1 $0x1;
	p0 =	seq.s32 s7, s2  }
0x1e: {  	s7 =	smul.u32 @!p0 $0xF7A, s2;
	p2 =	seq.s32 @!p0 s5, $0x0  }
0x1f: {  	s9 =	smul.u32 $0xF7A, s1;
	s8 =	simm.s32 @!p0 $0x1BF5;
	p2 =	por !p2, p0  }
0x20: {  	[sflag:s8] =	ssyncset.s32 @!p0 $0xFFFFF086;
	s6 =	sadd.s32 @!p0 s3, s7;
	s7 =	simm.s32 @!p0 $0x108  }
0x21: {  	s3 =	sadd.s32 s3, s9;
	s6 =	sadd.s32 @!p0 $0x88, s6;
	s7 =	simm.s32 @p2 $0x1082  }
0x22: {  	[simem:s7], [sflag:s8] =	dma.local @!p0 [hbm:s6], $0xF7A  }
0x23: {  	s9 =	sor.u32 $0xD0000000, s2;
	s6 =	simm.s32 $0x108;
	_ =	swait.ge @!p0 [sflag:s8], $0x0  }
0x24: {  	s3 =	sadd.s32 $0x88, s3;
	s6 =	simm.s32 @!p1 $0x1082;
	[sflag:s4] =	ssyncset.s32 $0xFFFFF086  }
0x25: {  	[simem:s6], [sflag:s4] =	dma.local [hbm:s3], $0xF7A  }
0x26: {  	[smem:$0x3F9D] =	sst s1;
	(tag) =	ssettag s2;
	_ =	strace s9  }
0x27: {  	s1 =	sld [smem:$0x3FAD]  }
0x28: {  	s2 =	sld [smem:$0x3FAE]  }
0x29: {  	s4 =	sld [smem:$0x3FB0]  }
0x2a: {  	p0 =	seq.s32 s5, $0x0;
	s5 =	sld [smem:$0x3FB1]  }
0x2b: {  	s6 =	sld [smem:$0x3FB2]  }
0x2c: {  	s7 =	sld [smem:$0x3FB3]  }
0x2d: {  	s3 =	simm.s32 $0x108;
	s8 =	sld [smem:$0x3FB4]  }
0x2e: {  	s3 =	simm.s32 @!p0 $0x1082;
	s9 =	sld [smem:$0x3FB5]  }
0x2f: {  	lr =	sadd.s32 s0, s3;
	s0 =	sld [smem:$0x3FAC]  }
0x30: {  	s3 =	sld [smem:$0x3FAF]  }
0x31: {  	[smem:$0x3FB8] =	sst s10  }
0x32: {  	s10 =	sld [smem:$0x3FB6];
	_ =	sdelay $0x3  }
0x33: {  	p0 =	seq.s32 s10, $0x1;
	s10 =	sld [smem:$0x3FB8];
	_ =	sdelay $0x3  }
0x34: {  	[smem:$0x3FB8] =	sst s10  }
0x35: {  	s10 =	sld [smem:$0x3FB7];
	_ =	sdelay $0x3  }
0x36: {  	p1 =	seq.s32 s10, $0x1;
	s10 =	sld [smem:$0x3FB8];
	_ =	sdelay $0x3  }
0x37: {  	[smem:$0x3FB8] =	sst s10  }
0x38: {  	s10 =	sld [smem:$0x3FB9]  }
0x39: {  	_ = 	snop;
	(pc) =	sbr.ind lr, $3  }
0x3a: {  	_ = 	snop  }
0x3b: {  	_ = 	snop  }
0x3c: {  	p2 =	seq.s32 s10, $0x1;
	s10 =	sld [smem:$0x3FB8]  }
0x3d: {  	_ =	shalt  }
0x3e: {  	_ =	shalt  }
0x3f: {  	_ =	shalt  }
0x40: {  	_ =	shalt  }
0x41: {  	_ =	shalt  }
0x42: {  	_ =	shalt  }
0x43: {  	_ =	shalt  }
0x44: {  	_ =	shalt  }
0x45: {  	_ =	shalt  }
0x46: {  	_ =	shalt  }
0x47: {  	_ =	shalt  }
0x48: {  	_ =	shalt  }
0x49: {  	_ =	shalt  }
0x4a: {  	_ =	shalt  }
0x4b: {  	_ =	shalt  }
0x4c: {  	_ =	shalt  }
0x4d: {  	_ =	shalt  }
0x4e: {  	_ =	shalt  }
0x4f: {  	_ =	shalt  }
0x50: {  	_ =	shalt  }
0x51: {  	_ =	shalt  }
0x52: {  	_ =	shalt  }
0x53: {  	_ =	shalt  }
0x54: {  	_ =	shalt  }
0x55: {  	_ =	shalt  }
0x56: {  	_ =	shalt  }
0x57: {  	_ =	shalt  }
0x58: {  	_ =	shalt  }
0x59: {  	_ =	shalt  }
0x5a: {  	_ =	shalt  }
0x5b: {  	_ =	shalt  }
0x5c: {  	_ =	shalt  }
0x5d: {  	_ =	shalt  }
0x5e: {  	_ =	shalt  }
0x5f: {  	_ =	shalt  }
0x60: {  	_ =	shalt  }
0x61: {  	_ =	shalt  }
0x62: {  	_ =	shalt  }
0x63: {  	_ =	shalt  }
0x64: {  	_ =	shalt  }
0x65: {  	_ =	shalt  }
0x66: {  	_ =	shalt  }
0x67: {  	_ =	shalt  }
0x68: {  	_ =	shalt  }
0x69: {  	_ =	shalt  }
0x6a: {  	_ =	shalt  }
0x6b: {  	_ =	shalt  }
0x6c: {  	_ =	shalt  }
0x6d: {  	_ =	shalt  }
0x6e: {  	_ =	shalt  }
0x6f: {  	_ =	shalt  }
0x70: {  	_ =	shalt  }
0x71: {  	_ =	shalt  }
0x72: {  	_ =	shalt  }
0x73: {  	_ =	shalt  }
0x74: {  	_ =	shalt  }
0x75: {  	_ =	shalt  }
0x76: {  	_ =	shalt  }
0x77: {  	_ =	shalt  }
0x78: {  	_ =	shalt  }
0x79: {  	_ =	shalt  }
0x7a: {  	_ =	shalt  }
0x7b: {  	_ =	shalt  }
0x7c: {  	_ =	shalt  }
0x7d: {  	_ =	shalt  }
0x7e: {  	_ =	shalt  }
0x7f: {  	_ =	shalt  }
0x80: {  	_ =	shalt  }
0x81: {  	_ =	shalt  }
0x82: {  	_ =	shalt  }
0x83: {  	_ =	shalt  }
0x84: {  	_ =	shalt  }
0x85: {  	_ =	shalt  }
0x86: {  	_ =	shalt  }
0x87: {  	_ =	shalt  }
.Lfunc_end0:
.L_simem_size_0:
called_computation_lowered:
.L_overlay_start_0:
0x88: {  	s2 =	sld [smem:$0x3FD9]  }
0x89: {  	s3 =	sld [smem:$0x3FFE];
	_ =	sdelay $0x1  }
0x8a: {  	s1 =	srdreg.scid  }
0x8b: {  	s0 =	sand.u32 $0x1, s1  }
0x8c: {  	s17 =	sshll.u32 s0, $0xA;
	s2 =	sadd.s32 s3, s2  }
0x8d: {  	s2 =	sadd.s32 s2, s17  }
0x8e: {  	[smem:$0x3FC4] =	sst s2  }
0x8f: {  	_ = 	snop  }
0x90: {  	s2 =	sld [smem:$0x3FC7]  }
0x91: {  	s18 =	sld [smem:$0x3FC6];
	(tm) =	ssettm $0x1  }
0x92: {  	s4 =	sld [smem:$0x3FFB];
	_ =	sdelay $0x3  }
0x93: {  	_ =	strace s4  }
0x94: {  	s4 =	sld [smem:$0x3FFC];
	_ =	sdelay $0x3  }
0x95: {  	_ =	strace s4  }
0x96: {  	s4 =	sld [smem:$0x3FFD];
	_ =	sdelay $0x3  }
0x97: {  	_ =	strace s4  }
0x98: {  	_ =	strace $0x8FFFFFFF  }
0x99: {  	s19 =	sld [smem:$0x3FDB];
	_ =	sdelay $0x1  }
0x9a: {  	s5 =	simm.s32 $_scs_section_size  }
0x9b: {  	s6 =	simm.s32 $_size__tile_overlayer_lowered;
	s7 =	simm.s32 $_tile_overlayer_lowered  }
0x9c: {  	s22 =	simm.s32 $0x1BFF;
	s21 =	sshll.u32 s7, $0x1;
	s4 =	sadd.s32 s5, s19  }
0x9d: {  	s8 =	simm.s32 $0x0;
	s20 =	sshll.u32 s6, $0x1;
	s6 =	sadd.s32 s21, s4  }
0x9e: {  	[timem:s8], [sflag:s22] =	dma.local [hbm:s6], s20  }
0x9f: {  	_ =	swait.ge [sflag:s22], s20  }
0xa0: {  	s5 =	ssub.s32 $0x0, s20;
	[sflag:s22] =	ssyncset.done $0x0  }
0xa1: {  	[sflag:s22] =	ssyncadd.s32 s5;
	_ =	sdelay $0x1  }
0xa2: {  	s23 =	simm.s32 $0x1B8B  }
0xa3: {  	_ =	swait.ge [sflag:s23], $0x1  }
0xa4: {  	[sflag:s23] =	ssyncset.done $0x0  }
0xa5: {  	s25 =	simm.s32 $0x1B8E;
	s24 =	sld [smem:$0x3FFE];
	[sflag:s23] =	ssyncadd.s32 $0xFFFFFFFF  }
0xa6: {  	s26 =	simm.s32 $execute0_lowered;
	[smem:$0x3FD2] =	sst s25  }
0xa7: {  	s6 =	sshll.u32 s26, $0x1;
	_ =	strace $0x80000046;
	[dreg:$0x1] =	wrdreg $0xFFFFFFFF  }
0xa8: {  	s28 =	simm.s32 $_size_execute0_lowered;
	s4 =	sadd.s32 s4, s6;
	[dreg:$0x0] =	wrdreg $0x0  }
0xa9: {  	s6 =	sshll.u32 s28, $0x1;
	[dreg:$0x2] =	wrdreg s4  }
0xaa: {  	[dreg:$0x3] =	wrdreg s6  }
0xab: {  	[dreg:$0x4] =	wrdreg $0xC0  }
0xac: {  	_ =	task [dreg:s8], $0x5FFFF  }
0xad: {  	[dreg:$0x1] =	wrdreg $0xFFFFFFFF  }
0xae: {  	[dreg:$0x0] =	wrdreg $0x60  }
0xaf: {  	[dreg:$0x2] =	wrdreg s24  }
0xb0: {  	[dreg:$0x3] =	wrdreg s2  }
0xb1: {  	[dreg:$0x4] =	wrdreg s18  }
0xb2: {  	[dreg:$0x5] =	wrdreg $0x9  }
0xb3: {  	_ =	task.clear_ibuf [dreg:s8], $0x6FFFF;
	_ =	strace $0x90000046  }
0xb4: {  	s29 =	simm.s32 $0x9;
	_ =	strace $0x80000048  }
0xb5: {  	_ =	swait.ge [sflag:s29], $0x1  }
0xb6: {  	[sflag:s29] =	ssyncadd.s32 $0xFFFFFFFF  }
0xb7: {  	_ =	strace $0x90000048  }
0xb8: {  	_ =	sfence  }
0xb9: {  	s30 =	sld [smem:$0x0];
	_ =	sdelay $0x2  }
0xba: {  	s31 =	sshll.u32 s1, $0xD;
	s1 =	sshrl.u32 s1, $0x2  }
0xbb: {  	s3 =	sand.u32 $0x4000, s31;
	s1 =	sadd.s32 s1, s30  }
0xbc: {  	s0 =	sor.u32 s3, s0;
	s1 =	sshll.u32 s1, $0x11  }
0xbd: {  	s0 =	sor.u32 s1, s0  }
0xbe: {  	s0 =	sadd.s32 $0x8F2B, s0  }
0xbf: {  	[sflag:s0] =	ssyncadd.remote.s32 $0x1  }
0xc0: {  	_ =	sfence.sel $0xFFFF  }
0xc1: {  	[dreg:$0x0] =	wrdreg $0xFFFFFFFF;
	(pc) =	sbr.abs _section_cstart, $3  }
0xc2: {  	[dreg:$0x1] =	wrdreg $0xFFFFFFFF  }
0xc3: {  	_ =	task.clear_ibuf [dreg:s8], $0x2FFFF;
	_ =	strace $0x9FFFFFFF  }
0xc4: {  	(tm) =	ssettm $0x7FFFFFFF  }
0xc5: {  	_ =	shalt  }
tec
execute0_lowered:
.L_overlay_start_1:
0x0: {  	(tag) =	ssettag $0x1  }
0x1: {  	s7 =	rddreg [dreg:$0x0];
	s1 =	srdreg.scid  }
0x2: {  	s3 =	rddreg [dreg:$0x1];
	s0 =	stileid.u32;
	s9 =	sand.u32 $0x1, s1  }
0x3: {  	s5 =	rddreg [dreg:$0x2];
	s4 =	sshll.u32 s0, $0x8;
	s6 =	sshll.u32 s9, $0x7  }
0x4: {  	s2 =	simm.s32 $0x0;
	s1 =	rddreg [dreg:$0x3];
	s10 =	sor.u32 s6, s4  }
0x5: {  	[smem:$0x7FF] =	sst s2;
	s6 =	sshrl.u32 s10, $0x3  }
0x6: {  	_ =	strace $0x80000047;
	s4 =	sadd.s32 s3, s6;
	s3 =	simm.s32 $0x3  }
0x7: {  	[tilespmem:s2], [sflag:$0x3] =	stream.linear.gather [hbm4b:s4+s2], $0x80, $0x38;
	[tilespmem:$0x8200] =	vst v63  }
0x8: {  	_ =	swait.ge [sflag:s3], $0x80  }
0x9: {  	[sflag:s3] =	ssyncset.done $0x0  }
0xa: {  	s5 =	sadd.s32 s5, s6;
	s6 =	simm.s32 $0x4100;
	[sflag:s3] =	ssyncadd.s32 $0xFFFFFF80  }
0xb: {  	[tilespmem:s6], [sflag:$0x3] =	stream.linear.gather [hbm4b:s5+s2], $0x80, $0x38;
	[tilespmem:$0x8200] =	vst v63  }
0xc: {  	_ =	swait.ge [sflag:s3], $0x80  }
0xd: {  	[sflag:s3] =	ssyncset.done $0x0  }
0xe: {  	[sflag:s3] =	ssyncadd.s32 $0xFFFFFF80  }
0xf: {  	v0 =	vld [tilespmem:$0x4170]  }
0x10: {  	v1 =	vld [tilespmem:$0x4110]  }
0x11: {  	v2 =	vld [tilespmem:$0x70]  }
0x12: {  	v3 =	vld [tilespmem:$0x60]  }
0x13: {  	v4 =	vld [tilespmem:$0x4150]  }
0x14: {  	v5 =	vld [tilespmem:$0x50];
	v0 =	vshrl.u32 v0, $0x1  }
0x15: {  	v6 =	vld [tilespmem:$0x4140];
	v1 =	vshrl.u32 v1, $0x1;
	[tilespmem:$0x41F0] =	vst v0  }
0x16: {  	v52 =	vld [tilespmem:$0x4130];
	v51 =	vshrl.u32 v2, $0x1;
	[tilespmem:$0x4190] =	vst v1  }
0x17: {  	v55 =	vld [tilespmem:$0x20];
	v3 =	vshrl.u32 v3, $0x1;
	[tilespmem:$0xF0] =	vst v51  }
0x18: {  	v56 =	vld [tilespmem:$0x4160];
	v4 =	vshrl.u32 v4, $0x1;
	[tilespmem:$0xE0] =	vst v3  }
0x19: {  	v57 =	vld [tilespmem:$0x10];
	v5 =	vshrl.u32 v5, $0x1;
	[tilespmem:$0x41D0] =	vst v4  }
0x1a: {  	v59 =	vld [tilespmem:$0x0];
	v6 =	vshrl.u32 v6, $0x1;
	[tilespmem:$0xD0] =	vst v5  }
0x1b: {  	v50 =	vld [tilespmem:$0x40];
	v2 =	vshrl.u32 v52, $0x1;
	[tilespmem:$0x41C0] =	vst v6  }
0x1c: {  	s9 =	ssub.s32 $0x2, s9;
	v53 =	vld [tilespmem:$0x30];
	v60 =	vshrl.u32 v55, $0x1;
	[tilespmem:$0x41B0] =	vst v2  }
0x1d: {  	s8 =	sadd.s32 $0xF43600, s7;
	s31 =	sshrl.u32 s9, $0x1;
	s11 =	sshll.u32 s10, $0x4;
	v54 =	vld [tilespmem:$0x4120];
	v61 =	vshrl.u32 v56, $0x1;
	[tilespmem:$0xA0] =	vst v60  }
0x1e: {  	s10 =	sadd.s32 $0x16E4800, s7;
	s7 =	sadd.s32 s11, s7;
	s11 =	ssub.s32 s9, s31;
	v58 =	vld [tilespmem:$0x4100];
	v62 =	vshrl.u32 v57, $0x1;
	[tilespmem:$0x41E0] =	vst v61  }
0x1f: {  	s17 =	smax.u32 s11, $0x1;
	v63 =	vshrl.u32 v59, $0x1;
	[tilespmem:$0x90] =	vst v62  }
0x20: {  	p0 =	sne.s32 s17, $0x1;
	v0 =	vshrl.u32 v50, $0x1;
	[tilespmem:$0x80] =	vst v63  }
.Ltmp0:
0x21: {  	v1 =	vshrl.u32 v53, $0x1;
	[tilespmem:$0xC0] =	vst v0;
	(pc) =	sbr.rel @!p0 .LBB2_2-.Ltmp0, $4  }
0x22: {  	s13 =	simm.s32 $0x80;
	s15 =	simm.s32 $0x4180;
	s12 =	simm.s32 $0x4200;
	v3 =	vshrl.u32 v54, $0x1;
	[tilespmem:$0xB0] =	vst v1  }
0x23: {  	s16 =	simm.s32 $0x1;
	s14 =	simm.s32 $0x2;
	s9 =	sadd.s32 $0x1200, s7;
	[tilespmem:$0x41A0] =	vst v3;
	v0 =	vshrl.u32 v58, $0x1  }
0x24: {  	s7 =	sadd.s32 $0x11200, s7;
	s11 =	simm.s32 $0x100;
	s17 =	sadd.s32 $0xFFFFFFFF, s17;
	[tilespmem:$0x4180] =	vst v0  }
0x25: {  	[tilespmem:s11], [sflag:$0x1] =	stream.indirect.gather [hbm4b:s8+s13], $0x80, s13, s13, $0xb8;
	[tilespmem:$0x8200] =	vst v63  }
.LBB2_1:
0x26: {  	p0 =	sne.s32 s17, $0x1;
	s17 =	sadd.s32 $0xFFFFFFFF, s17  }
0x27: {  	[tilespmem:s12], [sflag:$0x2] =	stream.indirect.gather [hbm4b:s10+s13], $0x80, s15, s13, $0xb8;
	[tilespmem:$0x8200] =	vst v63  }
0x28: {  	_ =	swait.ge [sflag:s16], $0x4000  }
0x29: {  	[sflag:s16] =	ssyncset.done $0x0  }
0x2a: {  	[sflag:s16] =	ssyncadd.s32 $0xFFFFC000  }
0x2b: {  	_ =	swait.ge [sflag:s14], $0x4000  }
0x2c: {  	[sflag:s14] =	ssyncset.done $0x0  }
0x2d: {  	[sflag:s14] =	ssyncadd.s32 $0xFFFFC000  }
0x2e: {  	[hbm4b:s9+s2] =	stream.linear.scatter [tilespmem:s11], [sflag:$0x3], $0x4000, $0x38;
	[tilespmem:$0x8200] =	vst v63  }
0x2f: {  	_ =	swait.ge [sflag:s3], $0x4000  }
0x30: {  	[sflag:s3] =	ssyncset.done $0x0  }
0x31: {  	[sflag:s3] =	ssyncadd.s32 $0xFFFFC000  }
0x32: {  	[hbm4b:s7+s2] =	stream.linear.scatter [tilespmem:s12], [sflag:$0x3], $0x4000, $0x38;
	[tilespmem:$0x8200] =	vst v63  }
0x33: {  	_ =	swait.ge [sflag:s3], $0x4000  }
0x34: {  	[sflag:s3] =	ssyncset.done $0x0  }
0x35: {  	[sflag:s3] =	ssyncadd.s32 $0xFFFFC000  }
0x36: {  	[tilespmem:s2], [sflag:$0x3] =	stream.linear.gather [hbm4b:s4+s2], $0x80, $0x38;
	[tilespmem:$0x8200] =	vst v63  }
0x37: {  	_ =	swait.ge [sflag:s3], $0x80  }
0x38: {  	[sflag:s3] =	ssyncset.done $0x0  }
0x39: {  	[sflag:s3] =	ssyncadd.s32 $0xFFFFFF80  }
0x3a: {  	[tilespmem:s6], [sflag:$0x3] =	stream.linear.gather [hbm4b:s5+s2], $0x80, $0x38;
	[tilespmem:$0x8200] =	vst v63  }
0x3b: {  	_ =	swait.ge [sflag:s3], $0x80  }
0x3c: {  	[sflag:s3] =	ssyncset.done $0x0  }
0x3d: {  	[sflag:s3] =	ssyncadd.s32 $0xFFFFFF80  }
0x3e: {  	v0 =	vld [tilespmem:$0x4170]  }
0x3f: {  	v1 =	vld [tilespmem:$0x4110]  }
0x40: {  	v2 =	vld [tilespmem:$0x70]  }
0x41: {  	v3 =	vld [tilespmem:$0x60]  }
0x42: {  	v4 =	vld [tilespmem:$0x4150]  }
0x43: {  	v5 =	vld [tilespmem:$0x50];
	v0 =	vshrl.u32 v0, $0x1  }
0x44: {  	v1 =	vshrl.u32 v1, $0x1;
	v6 =	vld [tilespmem:$0x4140];
	[tilespmem:$0x41F0] =	vst v0  }
0x45: {  	[tilespmem:$0x4190] =	vst v1;
	v0 =	vld [tilespmem:$0x40];
	v1 =	vshrl.u32 v2, $0x1  }
0x46: {  	v2 =	vld [tilespmem:$0x4130];
	v3 =	vshrl.u32 v3, $0x1;
	[tilespmem:$0xF0] =	vst v1  }
0x47: {  	v1 =	vld [tilespmem:$0x30];
	v4 =	vshrl.u32 v4, $0x1;
	[tilespmem:$0xE0] =	vst v3  }
0x48: {  	v3 =	vld [tilespmem:$0x4120];
	v5 =	vshrl.u32 v5, $0x1;
	[tilespmem:$0x41D0] =	vst v4  }
0x49: {  	v4 =	vld [tilespmem:$0x20];
	v6 =	vshrl.u32 v6, $0x1;
	[tilespmem:$0xD0] =	vst v5  }
0x4a: {  	v0 =	vshrl.u32 v0, $0x1;
	[tilespmem:$0x41C0] =	vst v6;
	v5 =	vld [tilespmem:$0x4160]  }
0x4b: {  	v6 =	vld [tilespmem:$0x10];
	v2 =	vshrl.u32 v2, $0x1;
	[tilespmem:$0xC0] =	vst v0  }
0x4c: {  	v0 =	vld [tilespmem:$0x4100];
	v1 =	vshrl.u32 v1, $0x1;
	[tilespmem:$0x41B0] =	vst v2  }
0x4d: {  	v2 =	vld [tilespmem:$0x0];
	v3 =	vshrl.u32 v3, $0x1;
	[tilespmem:$0xB0] =	vst v1  }
0x4e: {  	v1 =	vshrl.u32 v4, $0x1;
	[tilespmem:$0x41A0] =	vst v3  }
0x4f: {  	[tilespmem:$0xA0] =	vst v1;
	v1 =	vshrl.u32 v5, $0x1  }
.Ltmp1:
0x50: {  	v3 =	vshrl.u32 v6, $0x1;
	[tilespmem:$0x41E0] =	vst v1;
	(pc) =	sbr.rel @p0 .LBB2_1-.Ltmp1, $4  }
0x51: {  	v0 =	vshrl.u32 v0, $0x1;
	[tilespmem:$0x90] =	vst v3  }
0x52: {  	v1 =	vshrl.u32 v2, $0x1;
	[tilespmem:$0x4180] =	vst v0  }
0x53: {  	[tilespmem:$0x80] =	vst v1  }
0x54: {  	[tilespmem:s11], [sflag:$0x1] =	stream.indirect.gather [hbm4b:s8+s13], $0x80, s13, s13, $0xb8;
	[tilespmem:$0x8200] =	vst v63  }
.LBB2_2:
0x55: {  	[tilespmem:s12], [sflag:$0x2] =	stream.indirect.gather [hbm4b:s10+s13], $0x80, s15, s13, $0xb8;
	[tilespmem:$0x8200] =	vst v63  }
0x56: {  	_ =	swait.ge [sflag:s16], $0x4000  }
0x57: {  	[sflag:s16] =	ssyncset.done $0x0  }
0x58: {  	[sflag:s16] =	ssyncadd.s32 $0xFFFFC000  }
0x59: {  	_ =	swait.ge [sflag:s14], $0x4000  }
0x5a: {  	[sflag:s14] =	ssyncset.done $0x0  }
0x5b: {  	[sflag:s14] =	ssyncadd.s32 $0xFFFFC000  }
0x5c: {  	[hbm4b:s9+s2] =	stream.linear.scatter [tilespmem:s11], [sflag:$0x3], $0x4000, $0x38;
	[tilespmem:$0x8200] =	vst v63  }
0x5d: {  	_ =	swait.ge [sflag:s3], $0x4000  }
0x5e: {  	[sflag:s3] =	ssyncset.done $0x0  }
0x5f: {  	[sflag:s3] =	ssyncadd.s32 $0xFFFFC000  }
0x60: {  	[hbm4b:s7+s2] =	stream.linear.scatter [tilespmem:s12], [sflag:$0x3], $0x4000, $0x38;
	[tilespmem:$0x8200] =	vst v63  }
0x61: {  	_ =	swait.ge [sflag:s3], $0x4000  }
0x62: {  	[sflag:s3] =	ssyncset.done $0x0  }
0x63: {  	[sflag:s3] =	ssyncadd.s32 $0xFFFFC000  }
0x64: {  	_ =	sfence.sel $0x180000  }
0x65: {  	[bflag:$0x0] =	sbarrier.arrive $0xFFFF  }
0x66: {  	p0 =	sne.s32 s0, $0x0;
	_ =	strace $0x90000047  }
0x67: {  	s0 =	sadd.s32 @!p0 $0x100000, s1;
	[bflag:$0x2] =	sbarrier.arrive $0xFFFF  }
0x68: {  	[sflag:s0] =	ssyncadd.tile.s32 @!p0 $0x1;
	_ =	shalt  }
.Lfunc_end2:
_tile_overlayer_lowered:
.L_overlay_start_2:
0x69: {  	(tag) =	ssettag $0x2  }
0x6a: {  	s0 =	rddreg [dreg:$0x0];
	s2 =	stileid.u32  }
0x6b: {  	s1 =	rddreg [dreg:$0x1];
	p0 =	sne.s32 s2, $0x0  }
0x6c: {  	s3 =	rddreg [dreg:$0x2];
	[bflag:$0x3] =	sbarrier.arrive $0xFFFF;
	s2 =	simm.s32 @!p0 $0x1C03  }
0x6d: {  	[timem:s3], [sflag:s2] =	dma.local @!p0 [hbm:s0], s1  }
0x6e: {  	s0 =	simm.s32 @!p0 $0x3  }
0x6f: {  	_ =	swait.ge @!p0 [sflag:s0], s1  }
0x70: {  	s1 =	ssub.s32 @!p0 $0x0, s1;
	[sflag:s0] =	ssyncset.done @!p0 $0x0  }
0x71: {  	[sflag:s0] =	ssyncadd.s32 @!p0 s1  }
0x72: {  	[bflag:$0x3] =	sbarrier.arrive $0xFFFF  }
0x73: {  	_ =	shalt  }

</sc_bundles>
